<compile_context>
chip_gen: v7x
topology: tpu7x:2x2x1
jax: 0.10.2.dev20260603
libtpu: 0.0.44.dev20260713+nightly
codegen_flags: <defaults>
</compile_context>

<pallas_src>
import functools

import jax
import jax.numpy as jnp
from jax import lax
from jax.experimental import pallas as pl
from jax.experimental.pallas import tpu as pltpu
from jax.experimental.pallas import tpu_sc as plsc

D_MODEL = 128
NUM_VAR = 200
BATCH = 1024
SEQ_LEN = 8192
ROWS = BATCH * NUM_VAR
NUM_CORES = 2
NUM_SUBCORES = 16
NUM_WORKERS = NUM_CORES * NUM_SUBCORES
ROWS_PER_WORKER = ROWS // NUM_WORKERS
CHUNK = 80
NUM_CHUNKS = ROWS_PER_WORKER // CHUNK
NUM_PAIRS = NUM_CHUNKS // 2
LANES = 16


def _sc_gather_add(x_flat, idx_flat, pe):
    mesh = plsc.VectorSubcoreMesh(core_axis_name="c", subcore_axis_name="s")

    @functools.partial(
        pl.kernel,
        mesh=mesh,
        out_type=jax.ShapeDtypeStruct((ROWS, D_MODEL), jnp.float32),
        scratch_types=[
            pltpu.VMEM_SHARED((SEQ_LEN, D_MODEL), jnp.float32),
            pltpu.VMEM((ROWS_PER_WORKER,), jnp.int32),
            pltpu.VMEM((CHUNK, D_MODEL), jnp.float32),
            pltpu.VMEM((CHUNK, D_MODEL), jnp.float32),
            pltpu.VMEM((CHUNK, D_MODEL), jnp.float32),
            pltpu.VMEM((CHUNK, D_MODEL), jnp.float32),
            pltpu.SemaphoreType.DMA,
            pltpu.SemaphoreType.DMA,
            pltpu.SemaphoreType.DMA,
            pltpu.SemaphoreType.DMA,
            pltpu.SemaphoreType.DMA,
            pltpu.SemaphoreType.DMA,
        ],
    )
    def k(x_hbm, idx_hbm, pe_hbm, out_hbm, pe_sh, idx_v,
          x0, x1, pe0, pe1, sx0, sx1, spe0, spe1, so0, so1):
        sid = lax.axis_index("s")
        wid = sid * NUM_CORES + lax.axis_index("c")
        wbase = wid * ROWS_PER_WORKER

        stage = SEQ_LEN // NUM_SUBCORES
        pltpu.sync_copy(pe_hbm.at[pl.ds(sid * stage, stage)],
                        pe_sh.at[pl.ds(sid * stage, stage)])
        plsc.subcore_barrier()

        pltpu.sync_copy(idx_hbm.at[pl.ds(wbase, ROWS_PER_WORKER)], idx_v)

        xb = (x0, x1)
        peb = (pe0, pe1)
        sx = (sx0, sx1)
        spe = (spe0, spe1)
        so = (so0, so1)

        def in_descs(ci, b):
            base = wbase + ci * CHUNK
            d_x = pltpu.make_async_copy(
                x_hbm.at[pl.ds(base, CHUNK)], xb[b], sx[b])
            d_pe = pltpu.make_async_copy(
                pe_sh.at[idx_v.at[pl.ds(ci * CHUNK, CHUNK)]], peb[b], spe[b])
            return d_x, d_pe

        def out_desc(ci, b):
            base = wbase + ci * CHUNK
            return pltpu.make_async_copy(
                xb[b], out_hbm.at[pl.ds(base, CHUNK)], so[b])

        def issue_in(ci, b):
            d_x, d_pe = in_descs(ci, b)
            d_x.start()
            d_pe.start()

        def wait_in(ci, b):
            d_x, d_pe = in_descs(ci, b)
            d_x.wait()
            d_pe.wait()

        def compute(b):
            x_r = xb[b]
            pe_r = peb[b]

            def row_body(r, c):
                for c0 in range(D_MODEL // LANES):
                    sl = pl.ds(c0 * LANES, LANES)
                    plsc.addupdate(x_r.at[r, sl], pe_r[r, sl])
                return c

            lax.fori_loop(0, CHUNK, row_body, 0)

        issue_in(0, 0)

        def pair_body(g, carry):
            ci0 = 2 * g
            wait_in(ci0, 0)

            @pl.when(g > 0)
            def _():
                out_desc(ci0 - 1, 1).wait()

            issue_in(ci0 + 1, 1)
            compute(0)
            out_desc(ci0, 0).start()

            ci1 = ci0 + 1
            wait_in(ci1, 1)
            out_desc(ci0, 0).wait()

            @pl.when(g < NUM_PAIRS - 1)
            def _():
                issue_in(ci1 + 1, 0)

            compute(1)
            out_desc(ci1, 1).start()
            return carry

        lax.fori_loop(0, NUM_PAIRS, pair_body, 0)
        out_desc(NUM_CHUNKS - 1, 1).wait()

    return k(x_flat, idx_flat, pe)


def kernel(x, index, pe):
    x_flat = x.reshape(ROWS, D_MODEL)
    idx_flat = index.reshape(ROWS).astype(jnp.int32)
    out = _sc_gather_add(x_flat, idx_flat, pe)
    return out.reshape(x.shape)

# --- scband reference (transcript-rebuilt; emitter-appended) ---
"""Pipeline reference for scband-var-positional-encoding-58892591563169 (READ-ONLY COPY).

The authoritative reference and input builder live on the scoring server;
editing this copy changes nothing except your own understanding.
"""

import jax, jax.numpy as jnp
import numpy as np
import math

D_MODEL = 128
NUM_VAR = 200
SEQ_LEN = 8192
BATCH = 1024


def _build_pe(seq_len, d_model):
    position = jnp.arange(seq_len, dtype=jnp.float32)[:, None]
    div_term = jnp.exp(jnp.arange(0, d_model, 2, dtype=jnp.float32) * (-math.log(10000.0) / d_model))
    pe = jnp.zeros((seq_len, d_model), dtype=jnp.float32)
    pe = pe.at[:, 0::2].set(jnp.sin(position * div_term[: d_model // 2 + 1]))
    pe = pe.at[:, 1::2].set(jnp.cos(position * div_term[: d_model // 2]))
    return pe


def setup_inputs(seed: int = 0) -> dict:
    key = jax.random.key(seed)
    k1, k2 = jax.random.split(key)
    x = jax.random.normal(k1, (BATCH, NUM_VAR, D_MODEL), dtype=jnp.float32)
    index = jax.random.randint(k2, (BATCH, NUM_VAR), 0, SEQ_LEN, dtype=jnp.int64 if jax.config.jax_enable_x64 else jnp.int32)
    pe = _build_pe(SEQ_LEN, D_MODEL)
    return {"x": x, "index": index, "pe": pe}


def reference(x, index, pe):
    # Vectorized faithful translation of the per-element loop:
    # for each (batch, k): if index != -1, x[batch, k] += pe[index]
    mask = (index != -1)
    safe_idx = jnp.clip(index, 0, pe.shape[0] - 1)
    gathered = jnp.take(pe, safe_idx, axis=0)  # [B, num_var, d_model]
    out = x + jnp.where(mask[..., None], gathered, jnp.zeros_like(gathered))
    # dropout in eval mode is identity
    return out

if __name__ == "__main__":
    import jax
    _d = setup_inputs()
    print(jax.jit(kernel)(*tuple(_d.values())))

</pallas_src>

<mosaic_0001>
#map = affine_map<(d0, d1) -> (0, 0)>
#map1 = affine_map<(d0, d1) -> (0)>
module attributes {stable_mosaic.version = 14 : i64} {
  func.func @k(%arg0: i32, %arg1: i32, %arg2: memref<204800x128xf32, #tpu.memory_space<hbm>>, %arg3: memref<204800xi32, #tpu.memory_space<hbm>>, %arg4: memref<8192x128xf32, #tpu.memory_space<hbm>>, %arg5: memref<204800x128xf32, #tpu.memory_space<hbm>>, %arg6: memref<8192x128xf32, #tpu.memory_space<vmem_shared>>, %arg7: memref<6400xi32, #tpu.memory_space<vmem>>, %arg8: memref<80x128xf32, #tpu.memory_space<vmem>>, %arg9: memref<80x128xf32, #tpu.memory_space<vmem>>, %arg10: memref<80x128xf32, #tpu.memory_space<vmem>>, %arg11: memref<80x128xf32, #tpu.memory_space<vmem>>, %arg12: memref<!tpu.dma_semaphore, #tpu.memory_space<semaphore_mem>>, %arg13: memref<!tpu.dma_semaphore, #tpu.memory_space<semaphore_mem>>, %arg14: memref<!tpu.dma_semaphore, #tpu.memory_space<semaphore_mem>>, %arg15: memref<!tpu.dma_semaphore, #tpu.memory_space<semaphore_mem>>, %arg16: memref<!tpu.dma_semaphore, #tpu.memory_space<semaphore_mem>>, %arg17: memref<!tpu.dma_semaphore, #tpu.memory_space<semaphore_mem>>) attributes {dimension_semantics = [#tpu.dimension_semantics<core_parallel>, #tpu.dimension_semantics<subcore_parallel>], iteration_bounds = array<i64: 2, 16>, scalar_prefetch = 0 : i64, scratch_operands = 12 : i64, tpu.core_type = #tpu.core_type<sc_vector_subcore>, window_params = [{transform_indices = #map}, {transform_indices = #map1}, {transform_indices = #map}, {transform_indices = #map}]} {
    %mul3A = arith.constant 2 : i32
    %mul3A_0 = arith.muli %arg1, %mul3A : i32
    %add3A = arith.addi %mul3A_0, %arg0 : i32
    %mul3A_1 = arith.constant 6400 : i32
    %mul3A_2 = arith.muli %add3A, %mul3A_1 : i32
    %mul3A_3 = arith.constant 512 : i32
    %mul3A_4 = arith.muli %arg1, %mul3A_3 : i32
    %mul3A_5 = arith.constant 512 : i32
    %mul3A_6 = arith.muli %arg1, %mul3A_5 : i32
    "tpu.region"() ({
      %run_scoped3A = tpu.sem_alloc : memref<!tpu.dma_semaphore, #tpu.memory_space<semaphore_mem>>
      %dma_start3A_27 = arith.constant 0 : i32
      %dma_start3A_28 = tpu.memref_slice %arg6[%mul3A_6, %dma_start3A_27] : memref<8192x128xf32, #tpu.memory_space<vmem_shared>> -> memref<512x128xf32, #tpu.memory_space<vmem_shared>>
      %dma_start3A_29 = arith.constant 0 : i32
      %dma_start3A_30 = tpu.memref_slice %arg4[%mul3A_4, %dma_start3A_29] : memref<8192x128xf32, #tpu.memory_space<hbm>> -> memref<512x128xf32, #tpu.memory_space<hbm>>
      tpu.enqueue_dma source(%dma_start3A_30 : memref<512x128xf32, #tpu.memory_space<hbm>>) target(%dma_start3A_28 : memref<512x128xf32, #tpu.memory_space<vmem_shared>>) target_semaphore(%run_scoped3A : memref<!tpu.dma_semaphore, #tpu.memory_space<semaphore_mem>>)
      %dma_wait3A_31 = arith.constant 0 : i32
      %dma_wait3A_32 = tpu.memref_slice %arg6[%mul3A_6, %dma_wait3A_31] : memref<8192x128xf32, #tpu.memory_space<vmem_shared>> -> memref<512x128xf32, #tpu.memory_space<vmem_shared>>
      %dma_wait3A_33 = arith.constant 0 : i32
      %dma_wait3A_34 = tpu.memref_slice %arg4[%mul3A_4, %dma_wait3A_33] : memref<8192x128xf32, #tpu.memory_space<hbm>> -> memref<512x128xf32, #tpu.memory_space<hbm>>
      tpu.wait_dma2 semaphore(%run_scoped3A : memref<!tpu.dma_semaphore, #tpu.memory_space<semaphore_mem>>) src(%dma_wait3A_34 : memref<512x128xf32, #tpu.memory_space<hbm>>) dst(%dma_wait3A_32 : memref<512x128xf32, #tpu.memory_space<vmem_shared>>)
      tpu.yield
    }) : () -> ()
    %barrier3A = arith.constant 0 : index
    tpu.barrier barrier_id(%barrier3A)
    "tpu.region"() ({
      %run_scoped3A = tpu.sem_alloc : memref<!tpu.dma_semaphore, #tpu.memory_space<semaphore_mem>>
      %dma_start3A_27 = tpu.memref_slice %arg3[%mul3A_2] : memref<204800xi32, #tpu.memory_space<hbm>> -> memref<6400xi32, #tpu.memory_space<hbm>>
      %dma_start3A_28 = tpu.memref_slice %arg3[%mul3A_2] : memref<204800xi32, #tpu.memory_space<hbm>> -> memref<6400xi32, #tpu.memory_space<hbm>>
      tpu.enqueue_dma source(%dma_start3A_28 : memref<6400xi32, #tpu.memory_space<hbm>>) target(%arg7 : memref<6400xi32, #tpu.memory_space<vmem>>) target_semaphore(%run_scoped3A : memref<!tpu.dma_semaphore, #tpu.memory_space<semaphore_mem>>)
      %dma_wait3A_29 = tpu.memref_slice %arg3[%mul3A_2] : memref<204800xi32, #tpu.memory_space<hbm>> -> memref<6400xi32, #tpu.memory_space<hbm>>
      %dma_wait3A_30 = tpu.memref_slice %arg3[%mul3A_2] : memref<204800xi32, #tpu.memory_space<hbm>> -> memref<6400xi32, #tpu.memory_space<hbm>>
      tpu.wait_dma2 semaphore(%run_scoped3A : memref<!tpu.dma_semaphore, #tpu.memory_space<semaphore_mem>>) src(%dma_wait3A_30 : memref<6400xi32, #tpu.memory_space<hbm>>) dst(%arg7 : memref<6400xi32, #tpu.memory_space<vmem>>)
      tpu.yield
    }) : () -> ()
    %add3A_7 = arith.constant 0 : i32
    %add3A_8 = arith.addi %mul3A_2, %add3A_7 : i32
    %dma_start3A = arith.constant 0 : i32
    %dma_start3A_9 = tpu.memref_slice %arg2[%add3A_8, %dma_start3A] : memref<204800x128xf32, #tpu.memory_space<hbm>> -> memref<80x128xf32, #tpu.memory_space<hbm>>
    %dma_start3A_10 = arith.constant 0 : i32
    %dma_start3A_11 = tpu.memref_slice %arg2[%add3A_8, %dma_start3A_10] : memref<204800x128xf32, #tpu.memory_space<hbm>> -> memref<80x128xf32, #tpu.memory_space<hbm>>
    tpu.enqueue_dma source(%dma_start3A_11 : memref<80x128xf32, #tpu.memory_space<hbm>>) target(%arg8 : memref<80x128xf32, #tpu.memory_space<vmem>>) target_semaphore(%arg12 : memref<!tpu.dma_semaphore, #tpu.memory_space<semaphore_mem>>)
    %dma_start3A_12 = arith.constant 0 : i32
    %dma_start3A_13 = tpu.memref_slice %arg7[%dma_start3A_12] : memref<6400xi32, #tpu.memory_space<vmem>> -> memref<80xi32, #tpu.memory_space<vmem>>
    %dma_start3A_14 = arith.constant 0 : i32
    %dma_start3A_15 = arith.constant 0 : i32
    %dma_start3A_16 = tpu.memref_slice %arg6[%dma_start3A_14, %dma_start3A_15] : memref<8192x128xf32, #tpu.memory_space<vmem_shared>> -> memref<8192x128xf32, #tpu.memory_space<vmem_shared>>
    tpu.enqueue_indirect_dma source(%dma_start3A_16 : memref<8192x128xf32, #tpu.memory_space<vmem_shared>>) target(%arg10 : memref<80x128xf32, #tpu.memory_space<vmem>>) offsets(%dma_start3A_13 : memref<80xi32, #tpu.memory_space<vmem>>) semaphore(%arg14 : memref<!tpu.dma_semaphore, #tpu.memory_space<semaphore_mem>>)
    %scan3A = arith.constant 0 : i32
    %scan3A_17 = arith.constant 0 : i32
    %scan3A_18 = arith.constant 40 : i32
    %scan3A_19 = arith.addi %scan3A_17, %scan3A_18 : i32
    %scan3A_20 = arith.constant 1 : i32
    scf.for %scan3A_27 = %scan3A_17 to %scan3A_19 step %scan3A_20  : i32 {
      %mul3A_28 = arith.constant 2 : i32
      %mul3A_29 = arith.muli %mul3A_28, %scan3A_27 : i32
      %mul3A_30 = arith.constant 80 : i32
      %mul3A_31 = arith.muli %mul3A_29, %mul3A_30 : i32
      %add3A_32 = arith.addi %mul3A_2, %mul3A_31 : i32
      %mul3A_33 = arith.constant 80 : i32
      %mul3A_34 = arith.muli %mul3A_29, %mul3A_33 : i32
      %dma_wait3A_35 = arith.constant 0 : i32
      %dma_wait3A_36 = tpu.memref_slice %arg2[%add3A_32, %dma_wait3A_35] : memref<204800x128xf32, #tpu.memory_space<hbm>> -> memref<80x128xf32, #tpu.memory_space<hbm>>
      %dma_wait3A_37 = arith.constant 0 : i32
      %dma_wait3A_38 = tpu.memref_slice %arg2[%add3A_32, %dma_wait3A_37] : memref<204800x128xf32, #tpu.memory_space<hbm>> -> memref<80x128xf32, #tpu.memory_space<hbm>>
      tpu.wait_dma2 semaphore(%arg12 : memref<!tpu.dma_semaphore, #tpu.memory_space<semaphore_mem>>) src(%dma_wait3A_38 : memref<80x128xf32, #tpu.memory_space<hbm>>) dst(%arg8 : memref<80x128xf32, #tpu.memory_space<vmem>>)
      %dma_wait3A_39 = tpu.memref_slice %arg7[%mul3A_34] : memref<6400xi32, #tpu.memory_space<vmem>> -> memref<80xi32, #tpu.memory_space<vmem>>
      %dma_wait3A_40 = arith.constant 0 : i32
      %dma_wait3A_41 = arith.constant 0 : i32
      %dma_wait3A_42 = tpu.memref_slice %arg6[%dma_wait3A_40, %dma_wait3A_41] : memref<8192x128xf32, #tpu.memory_space<vmem_shared>> -> memref<8192x128xf32, #tpu.memory_space<vmem_shared>>
      tpu.wait_indirect_dma semaphore(%arg14 : memref<!tpu.dma_semaphore, #tpu.memory_space<semaphore_mem>>) src(%dma_wait3A_42 : memref<8192x128xf32, #tpu.memory_space<vmem_shared>>) dst(%arg10 : memref<80x128xf32, #tpu.memory_space<vmem>>)
      %gt3A = arith.constant 0 : i32
      %gt3A_43 = arith.cmpi sgt, %scan3A_27, %gt3A : i32
      %convert_element_type3A = arith.extui %gt3A_43 : i1 to i32
      %cond3A = arith.constant 0 : i32
      %cond3A_44 = arith.cmpi ne, %convert_element_type3A, %cond3A : i32
      scf.if %cond3A_44 {
        %sub3A = arith.constant 1 : i32
        %sub3A_112 = arith.subi %mul3A_29, %sub3A : i32
        %mul3A_113 = arith.constant 80 : i32
        %mul3A_114 = arith.muli %sub3A_112, %mul3A_113 : i32
        %add3A_115 = arith.addi %mul3A_2, %mul3A_114 : i32
        %dma_wait3A_116 = arith.constant 0 : i32
        %dma_wait3A_117 = tpu.memref_slice %arg5[%add3A_115, %dma_wait3A_116] : memref<204800x128xf32, #tpu.memory_space<hbm>> -> memref<80x128xf32, #tpu.memory_space<hbm>>
        %dma_wait3A_118 = arith.constant 0 : i32
        %dma_wait3A_119 = tpu.memref_slice %arg5[%add3A_115, %dma_wait3A_118] : memref<204800x128xf32, #tpu.memory_space<hbm>> -> memref<80x128xf32, #tpu.memory_space<hbm>>
        tpu.wait_dma2 semaphore(%arg17 : memref<!tpu.dma_semaphore, #tpu.memory_space<semaphore_mem>>) src(%arg9 : memref<80x128xf32, #tpu.memory_space<vmem>>) dst(%dma_wait3A_119 : memref<80x128xf32, #tpu.memory_space<hbm>>)
      } else {
      }
      %add3A_45 = arith.constant 1 : i32
      %add3A_46 = arith.addi %mul3A_29, %add3A_45 : i32
      %mul3A_47 = arith.constant 80 : i32
      %mul3A_48 = arith.muli %add3A_46, %mul3A_47 : i32
      %add3A_49 = arith.addi %mul3A_2, %mul3A_48 : i32
      %mul3A_50 = arith.constant 80 : i32
      %mul3A_51 = arith.muli %add3A_46, %mul3A_50 : i32
      %dma_start3A_52 = arith.constant 0 : i32
      %dma_start3A_53 = tpu.memref_slice %arg2[%add3A_49, %dma_start3A_52] : memref<204800x128xf32, #tpu.memory_space<hbm>> -> memref<80x128xf32, #tpu.memory_space<hbm>>
      %dma_start3A_54 = arith.constant 0 : i32
      %dma_start3A_55 = tpu.memref_slice %arg2[%add3A_49, %dma_start3A_54] : memref<204800x128xf32, #tpu.memory_space<hbm>> -> memref<80x128xf32, #tpu.memory_space<hbm>>
      tpu.enqueue_dma source(%dma_start3A_55 : memref<80x128xf32, #tpu.memory_space<hbm>>) target(%arg9 : memref<80x128xf32, #tpu.memory_space<vmem>>) target_semaphore(%arg13 : memref<!tpu.dma_semaphore, #tpu.memory_space<semaphore_mem>>)
      %dma_start3A_56 = tpu.memref_slice %arg7[%mul3A_51] : memref<6400xi32, #tpu.memory_space<vmem>> -> memref<80xi32, #tpu.memory_space<vmem>>
      %dma_start3A_57 = arith.constant 0 : i32
      %dma_start3A_58 = arith.constant 0 : i32
      %dma_start3A_59 = tpu.memref_slice %arg6[%dma_start3A_57, %dma_start3A_58] : memref<8192x128xf32, #tpu.memory_space<vmem_shared>> -> memref<8192x128xf32, #tpu.memory_space<vmem_shared>>
      tpu.enqueue_indirect_dma source(%dma_start3A_59 : memref<8192x128xf32, #tpu.memory_space<vmem_shared>>) target(%arg11 : memref<80x128xf32, #tpu.memory_space<vmem>>) offsets(%dma_start3A_56 : memref<80xi32, #tpu.memory_space<vmem>>) semaphore(%arg15 : memref<!tpu.dma_semaphore, #tpu.memory_space<semaphore_mem>>)
      %scan3A_60 = arith.constant 0 : i32
      %scan3A_61 = arith.constant 0 : i32
      %scan3A_62 = arith.constant 80 : i32
      %scan3A_63 = arith.addi %scan3A_61, %scan3A_62 : i32
      %scan3A_64 = arith.constant 1 : i32
      scf.for %scan3A_112 = %scan3A_61 to %scan3A_63 step %scan3A_64  : i32 {
        %get3A = arith.index_cast %scan3A_112 : i32 to index
        %get3A_113 = arith.constant 0 : index
        %get3A_114 = tpu.vector_load %arg10[%get3A, %get3A_113] {strides = array<i32>} : memref<80x128xf32, #tpu.memory_space<vmem>>, vector<1x16xf32>,
        %get3A_115 = vector.shape_cast %get3A_114 : vector<1x16xf32> to vector<16xf32>
        %swap3A = arith.index_cast %scan3A_112 : i32 to index
        %swap3A_116 = arith.constant 0 : index
        %swap3A_117 = tpu.vector_load %arg8[%swap3A, %swap3A_116] {strides = array<i32>} : memref<80x128xf32, #tpu.memory_space<vmem>>, vector<1x16xf32>,
        %swap3A_118 = vector.shape_cast %swap3A_117 : vector<1x16xf32> to vector<16xf32>
        %swap3A_119 = vector.shape_cast %get3A_115 : vector<16xf32> to vector<1x16xf32>
        tpu.vector_store %arg8[%swap3A, %swap3A_116], %swap3A_119 {add = true, strides = array<i32>} : memref<80x128xf32, #tpu.memory_space<vmem>>, vector<1x16xf32>,
        %get3A_120 = arith.index_cast %scan3A_112 : i32 to index
        %get3A_121 = arith.constant 16 : index
        %get3A_122 = tpu.vector_load %arg10[%get3A_120, %get3A_121] {strides = array<i32>} : memref<80x128xf32, #tpu.memory_space<vmem>>, vector<1x16xf32>,
        %get3A_123 = vector.shape_cast %get3A_122 : vector<1x16xf32> to vector<16xf32>
        %swap3A_124 = arith.index_cast %scan3A_112 : i32 to index
        %swap3A_125 = arith.constant 16 : index
        %swap3A_126 = tpu.vector_load %arg8[%swap3A_124, %swap3A_125] {strides = array<i32>} : memref<80x128xf32, #tpu.memory_space<vmem>>, vector<1x16xf32>,
        %swap3A_127 = vector.shape_cast %swap3A_126 : vector<1x16xf32> to vector<16xf32>
        %swap3A_128 = vector.shape_cast %get3A_123 : vector<16xf32> to vector<1x16xf32>
        tpu.vector_store %arg8[%swap3A_124, %swap3A_125], %swap3A_128 {add = true, strides = array<i32>} : memref<80x128xf32, #tpu.memory_space<vmem>>, vector<1x16xf32>,
        %get3A_129 = arith.index_cast %scan3A_112 : i32 to index
        %get3A_130 = arith.constant 32 : index
        %get3A_131 = tpu.vector_load %arg10[%get3A_129, %get3A_130] {strides = array<i32>} : memref<80x128xf32, #tpu.memory_space<vmem>>, vector<1x16xf32>,
        %get3A_132 = vector.shape_cast %get3A_131 : vector<1x16xf32> to vector<16xf32>
        %swap3A_133 = arith.index_cast %scan3A_112 : i32 to index
        %swap3A_134 = arith.constant 32 : index
        %swap3A_135 = tpu.vector_load %arg8[%swap3A_133, %swap3A_134] {strides = array<i32>} : memref<80x128xf32, #tpu.memory_space<vmem>>, vector<1x16xf32>,
        %swap3A_136 = vector.shape_cast %swap3A_135 : vector<1x16xf32> to vector<16xf32>
        %swap3A_137 = vector.shape_cast %get3A_132 : vector<16xf32> to vector<1x16xf32>
        tpu.vector_store %arg8[%swap3A_133, %swap3A_134], %swap3A_137 {add = true, strides = array<i32>} : memref<80x128xf32, #tpu.memory_space<vmem>>, vector<1x16xf32>,
        %get3A_138 = arith.index_cast %scan3A_112 : i32 to index
        %get3A_139 = arith.constant 48 : index
        %get3A_140 = tpu.vector_load %arg10[%get3A_138, %get3A_139] {strides = array<i32>} : memref<80x128xf32, #tpu.memory_space<vmem>>, vector<1x16xf32>,
        %get3A_141 = vector.shape_cast %get3A_140 : vector<1x16xf32> to vector<16xf32>
        %swap3A_142 = arith.index_cast %scan3A_112 : i32 to index
        %swap3A_143 = arith.constant 48 : index
        %swap3A_144 = tpu.vector_load %arg8[%swap3A_142, %swap3A_143] {strides = array<i32>} : memref<80x128xf32, #tpu.memory_space<vmem>>, vector<1x16xf32>,
        %swap3A_145 = vector.shape_cast %swap3A_144 : vector<1x16xf32> to vector<16xf32>
        %swap3A_146 = vector.shape_cast %get3A_141 : vector<16xf32> to vector<1x16xf32>
        tpu.vector_store %arg8[%swap3A_142, %swap3A_143], %swap3A_146 {add = true, strides = array<i32>} : memref<80x128xf32, #tpu.memory_space<vmem>>, vector<1x16xf32>,
        %get3A_147 = arith.index_cast %scan3A_112 : i32 to index
        %get3A_148 = arith.constant 64 : index
        %get3A_149 = tpu.vector_load %arg10[%get3A_147, %get3A_148] {strides = array<i32>} : memref<80x128xf32, #tpu.memory_space<vmem>>, vector<1x16xf32>,
        %get3A_150 = vector.shape_cast %get3A_149 : vector<1x16xf32> to vector<16xf32>
        %swap3A_151 = arith.index_cast %scan3A_112 : i32 to index
        %swap3A_152 = arith.constant 64 : index
        %swap3A_153 = tpu.vector_load %arg8[%swap3A_151, %swap3A_152] {strides = array<i32>} : memref<80x128xf32, #tpu.memory_space<vmem>>, vector<1x16xf32>,
        %swap3A_154 = vector.shape_cast %swap3A_153 : vector<1x16xf32> to vector<16xf32>
        %swap3A_155 = vector.shape_cast %get3A_150 : vector<16xf32> to vector<1x16xf32>
        tpu.vector_store %arg8[%swap3A_151, %swap3A_152], %swap3A_155 {add = true, strides = array<i32>} : memref<80x128xf32, #tpu.memory_space<vmem>>, vector<1x16xf32>,
        %get3A_156 = arith.index_cast %scan3A_112 : i32 to index
        %get3A_157 = arith.constant 80 : index
        %get3A_158 = tpu.vector_load %arg10[%get3A_156, %get3A_157] {strides = array<i32>} : memref<80x128xf32, #tpu.memory_space<vmem>>, vector<1x16xf32>,
        %get3A_159 = vector.shape_cast %get3A_158 : vector<1x16xf32> to vector<16xf32>
        %swap3A_160 = arith.index_cast %scan3A_112 : i32 to index
        %swap3A_161 = arith.constant 80 : index
        %swap3A_162 = tpu.vector_load %arg8[%swap3A_160, %swap3A_161] {strides = array<i32>} : memref<80x128xf32, #tpu.memory_space<vmem>>, vector<1x16xf32>,
        %swap3A_163 = vector.shape_cast %swap3A_162 : vector<1x16xf32> to vector<16xf32>
        %swap3A_164 = vector.shape_cast %get3A_159 : vector<16xf32> to vector<1x16xf32>
        tpu.vector_store %arg8[%swap3A_160, %swap3A_161], %swap3A_164 {add = true, strides = array<i32>} : memref<80x128xf32, #tpu.memory_space<vmem>>, vector<1x16xf32>,
        %get3A_165 = arith.index_cast %scan3A_112 : i32 to index
        %get3A_166 = arith.constant 96 : index
        %get3A_167 = tpu.vector_load %arg10[%get3A_165, %get3A_166] {strides = array<i32>} : memref<80x128xf32, #tpu.memory_space<vmem>>, vector<1x16xf32>,
        %get3A_168 = vector.shape_cast %get3A_167 : vector<1x16xf32> to vector<16xf32>
        %swap3A_169 = arith.index_cast %scan3A_112 : i32 to index
        %swap3A_170 = arith.constant 96 : index
        %swap3A_171 = tpu.vector_load %arg8[%swap3A_169, %swap3A_170] {strides = array<i32>} : memref<80x128xf32, #tpu.memory_space<vmem>>, vector<1x16xf32>,
        %swap3A_172 = vector.shape_cast %swap3A_171 : vector<1x16xf32> to vector<16xf32>
        %swap3A_173 = vector.shape_cast %get3A_168 : vector<16xf32> to vector<1x16xf32>
        tpu.vector_store %arg8[%swap3A_169, %swap3A_170], %swap3A_173 {add = true, strides = array<i32>} : memref<80x128xf32, #tpu.memory_space<vmem>>, vector<1x16xf32>,
        %get3A_174 = arith.index_cast %scan3A_112 : i32 to index
        %get3A_175 = arith.constant 112 : index
        %get3A_176 = tpu.vector_load %arg10[%get3A_174, %get3A_175] {strides = array<i32>} : memref<80x128xf32, #tpu.memory_space<vmem>>, vector<1x16xf32>,
        %get3A_177 = vector.shape_cast %get3A_176 : vector<1x16xf32> to vector<16xf32>
        %swap3A_178 = arith.index_cast %scan3A_112 : i32 to index
        %swap3A_179 = arith.constant 112 : index
        %swap3A_180 = tpu.vector_load %arg8[%swap3A_178, %swap3A_179] {strides = array<i32>} : memref<80x128xf32, #tpu.memory_space<vmem>>, vector<1x16xf32>,
        %swap3A_181 = vector.shape_cast %swap3A_180 : vector<1x16xf32> to vector<16xf32>
        %swap3A_182 = vector.shape_cast %get3A_177 : vector<16xf32> to vector<1x16xf32>
        tpu.vector_store %arg8[%swap3A_178, %swap3A_179], %swap3A_182 {add = true, strides = array<i32>} : memref<80x128xf32, #tpu.memory_space<vmem>>, vector<1x16xf32>,
      }
      %scan3A_65 = arith.constant 80 : i32
      %mul3A_66 = arith.constant 80 : i32
      %mul3A_67 = arith.muli %mul3A_29, %mul3A_66 : i32
      %add3A_68 = arith.addi %mul3A_2, %mul3A_67 : i32
      %dma_start3A_69 = arith.constant 0 : i32
      %dma_start3A_70 = tpu.memref_slice %arg5[%add3A_68, %dma_start3A_69] : memref<204800x128xf32, #tpu.memory_space<hbm>> -> memref<80x128xf32, #tpu.memory_space<hbm>>
      %dma_start3A_71 = arith.constant 0 : i32
      %dma_start3A_72 = tpu.memref_slice %arg5[%add3A_68, %dma_start3A_71] : memref<204800x128xf32, #tpu.memory_space<hbm>> -> memref<80x128xf32, #tpu.memory_space<hbm>>
      tpu.enqueue_dma source(%arg8 : memref<80x128xf32, #tpu.memory_space<vmem>>) target(%dma_start3A_72 : memref<80x128xf32, #tpu.memory_space<hbm>>) target_semaphore(%arg16 : memref<!tpu.dma_semaphore, #tpu.memory_space<semaphore_mem>>)
      %add3A_73 = arith.constant 1 : i32
      %add3A_74 = arith.addi %mul3A_29, %add3A_73 : i32
      %mul3A_75 = arith.constant 80 : i32
      %mul3A_76 = arith.muli %add3A_74, %mul3A_75 : i32
      %add3A_77 = arith.addi %mul3A_2, %mul3A_76 : i32
      %mul3A_78 = arith.constant 80 : i32
      %mul3A_79 = arith.muli %add3A_74, %mul3A_78 : i32
      %dma_wait3A_80 = arith.constant 0 : i32
      %dma_wait3A_81 = tpu.memref_slice %arg2[%add3A_77, %dma_wait3A_80] : memref<204800x128xf32, #tpu.memory_space<hbm>> -> memref<80x128xf32, #tpu.memory_space<hbm>>
      %dma_wait3A_82 = arith.constant 0 : i32
      %dma_wait3A_83 = tpu.memref_slice %arg2[%add3A_77, %dma_wait3A_82] : memref<204800x128xf32, #tpu.memory_space<hbm>> -> memref<80x128xf32, #tpu.memory_space<hbm>>
      tpu.wait_dma2 semaphore(%arg13 : memref<!tpu.dma_semaphore, #tpu.memory_space<semaphore_mem>>) src(%dma_wait3A_83 : memref<80x128xf32, #tpu.memory_space<hbm>>) dst(%arg9 : memref<80x128xf32, #tpu.memory_space<vmem>>)
      %dma_wait3A_84 = tpu.memref_slice %arg7[%mul3A_79] : memref<6400xi32, #tpu.memory_space<vmem>> -> memref<80xi32, #tpu.memory_space<vmem>>
      %dma_wait3A_85 = arith.constant 0 : i32
      %dma_wait3A_86 = arith.constant 0 : i32
      %dma_wait3A_87 = tpu.memref_slice %arg6[%dma_wait3A_85, %dma_wait3A_86] : memref<8192x128xf32, #tpu.memory_space<vmem_shared>> -> memref<8192x128xf32, #tpu.memory_space<vmem_shared>>
      tpu.wait_indirect_dma semaphore(%arg15 : memref<!tpu.dma_semaphore, #tpu.memory_space<semaphore_mem>>) src(%dma_wait3A_87 : memref<8192x128xf32, #tpu.memory_space<vmem_shared>>) dst(%arg11 : memref<80x128xf32, #tpu.memory_space<vmem>>)
      %mul3A_88 = arith.constant 80 : i32
      %mul3A_89 = arith.muli %mul3A_29, %mul3A_88 : i32
      %add3A_90 = arith.addi %mul3A_2, %mul3A_89 : i32
      %dma_wait3A_91 = arith.constant 0 : i32
      %dma_wait3A_92 = tpu.memref_slice %arg5[%add3A_90, %dma_wait3A_91] : memref<204800x128xf32, #tpu.memory_space<hbm>> -> memref<80x128xf32, #tpu.memory_space<hbm>>
      %dma_wait3A_93 = arith.constant 0 : i32
      %dma_wait3A_94 = tpu.memref_slice %arg5[%add3A_90, %dma_wait3A_93] : memref<204800x128xf32, #tpu.memory_space<hbm>> -> memref<80x128xf32, #tpu.memory_space<hbm>>
      tpu.wait_dma2 semaphore(%arg16 : memref<!tpu.dma_semaphore, #tpu.memory_space<semaphore_mem>>) src(%arg8 : memref<80x128xf32, #tpu.memory_space<vmem>>) dst(%dma_wait3A_94 : memref<80x128xf32, #tpu.memory_space<hbm>>)
      %lt3A = arith.constant 39 : i32
      %lt3A_95 = arith.cmpi slt, %scan3A_27, %lt3A : i32
      %convert_element_type3A_96 = arith.extui %lt3A_95 : i1 to i32
      %cond3A_97 = arith.constant 0 : i32
      %cond3A_98 = arith.cmpi ne, %convert_element_type3A_96, %cond3A_97 : i32
      scf.if %cond3A_98 {
        %add3A_112 = arith.constant 1 : i32
        %add3A_113 = arith.addi %add3A_74, %add3A_112 : i32
        %mul3A_114 = arith.constant 80 : i32
        %mul3A_115 = arith.muli %add3A_113, %mul3A_114 : i32
        %add3A_116 = arith.addi %mul3A_2, %mul3A_115 : i32
        %mul3A_117 = arith.constant 80 : i32
        %mul3A_118 = arith.muli %add3A_113, %mul3A_117 : i32
        %dma_start3A_119 = arith.constant 0 : i32
        %dma_start3A_120 = tpu.memref_slice %arg2[%add3A_116, %dma_start3A_119] : memref<204800x128xf32, #tpu.memory_space<hbm>> -> memref<80x128xf32, #tpu.memory_space<hbm>>
        %dma_start3A_121 = arith.constant 0 : i32
        %dma_start3A_122 = tpu.memref_slice %arg2[%add3A_116, %dma_start3A_121] : memref<204800x128xf32, #tpu.memory_space<hbm>> -> memref<80x128xf32, #tpu.memory_space<hbm>>
        tpu.enqueue_dma source(%dma_start3A_122 : memref<80x128xf32, #tpu.memory_space<hbm>>) target(%arg8 : memref<80x128xf32, #tpu.memory_space<vmem>>) target_semaphore(%arg12 : memref<!tpu.dma_semaphore, #tpu.memory_space<semaphore_mem>>)
        %dma_start3A_123 = tpu.memref_slice %arg7[%mul3A_118] : memref<6400xi32, #tpu.memory_space<vmem>> -> memref<80xi32, #tpu.memory_space<vmem>>
        %dma_start3A_124 = arith.constant 0 : i32
        %dma_start3A_125 = arith.constant 0 : i32
        %dma_start3A_126 = tpu.memref_slice %arg6[%dma_start3A_124, %dma_start3A_125] : memref<8192x128xf32, #tpu.memory_space<vmem_shared>> -> memref<8192x128xf32, #tpu.memory_space<vmem_shared>>
        tpu.enqueue_indirect_dma source(%dma_start3A_126 : memref<8192x128xf32, #tpu.memory_space<vmem_shared>>) target(%arg10 : memref<80x128xf32, #tpu.memory_space<vmem>>) offsets(%dma_start3A_123 : memref<80xi32, #tpu.memory_space<vmem>>) semaphore(%arg14 : memref<!tpu.dma_semaphore, #tpu.memory_space<semaphore_mem>>)
      } else {
      }
      %scan3A_99 = arith.constant 0 : i32
      %scan3A_100 = arith.constant 0 : i32
      %scan3A_101 = arith.constant 80 : i32
      %scan3A_102 = arith.addi %scan3A_100, %scan3A_101 : i32
      %scan3A_103 = arith.constant 1 : i32
      scf.for %scan3A_112 = %scan3A_100 to %scan3A_102 step %scan3A_103  : i32 {
        %get3A = arith.index_cast %scan3A_112 : i32 to index
        %get3A_113 = arith.constant 0 : index
        %get3A_114 = tpu.vector_load %arg11[%get3A, %get3A_113] {strides = array<i32>} : memref<80x128xf32, #tpu.memory_space<vmem>>, vector<1x16xf32>,
        %get3A_115 = vector.shape_cast %get3A_114 : vector<1x16xf32> to vector<16xf32>
        %swap3A = arith.index_cast %scan3A_112 : i32 to index
        %swap3A_116 = arith.constant 0 : index
        %swap3A_117 = tpu.vector_load %arg9[%swap3A, %swap3A_116] {strides = array<i32>} : memref<80x128xf32, #tpu.memory_space<vmem>>, vector<1x16xf32>,
        %swap3A_118 = vector.shape_cast %swap3A_117 : vector<1x16xf32> to vector<16xf32>
        %swap3A_119 = vector.shape_cast %get3A_115 : vector<16xf32> to vector<1x16xf32>
        tpu.vector_store %arg9[%swap3A, %swap3A_116], %swap3A_119 {add = true, strides = array<i32>} : memref<80x128xf32, #tpu.memory_space<vmem>>, vector<1x16xf32>,
        %get3A_120 = arith.index_cast %scan3A_112 : i32 to index
        %get3A_121 = arith.constant 16 : index
        %get3A_122 = tpu.vector_load %arg11[%get3A_120, %get3A_121] {strides = array<i32>} : memref<80x128xf32, #tpu.memory_space<vmem>>, vector<1x16xf32>,
        %get3A_123 = vector.shape_cast %get3A_122 : vector<1x16xf32> to vector<16xf32>
        %swap3A_124 = arith.index_cast %scan3A_112 : i32 to index
        %swap3A_125 = arith.constant 16 : index
        %swap3A_126 = tpu.vector_load %arg9[%swap3A_124, %swap3A_125] {strides = array<i32>} : memref<80x128xf32, #tpu.memory_space<vmem>>, vector<1x16xf32>,
        %swap3A_127 = vector.shape_cast %swap3A_126 : vector<1x16xf32> to vector<16xf32>
        %swap3A_128 = vector.shape_cast %get3A_123 : vector<16xf32> to vector<1x16xf32>
        tpu.vector_store %arg9[%swap3A_124, %swap3A_125], %swap3A_128 {add = true, strides = array<i32>} : memref<80x128xf32, #tpu.memory_space<vmem>>, vector<1x16xf32>,
        %get3A_129 = arith.index_cast %scan3A_112 : i32 to index
        %get3A_130 = arith.constant 32 : index
        %get3A_131 = tpu.vector_load %arg11[%get3A_129, %get3A_130] {strides = array<i32>} : memref<80x128xf32, #tpu.memory_space<vmem>>, vector<1x16xf32>,
        %get3A_132 = vector.shape_cast %get3A_131 : vector<1x16xf32> to vector<16xf32>
        %swap3A_133 = arith.index_cast %scan3A_112 : i32 to index
        %swap3A_134 = arith.constant 32 : index
        %swap3A_135 = tpu.vector_load %arg9[%swap3A_133, %swap3A_134] {strides = array<i32>} : memref<80x128xf32, #tpu.memory_space<vmem>>, vector<1x16xf32>,
        %swap3A_136 = vector.shape_cast %swap3A_135 : vector<1x16xf32> to vector<16xf32>
        %swap3A_137 = vector.shape_cast %get3A_132 : vector<16xf32> to vector<1x16xf32>
        tpu.vector_store %arg9[%swap3A_133, %swap3A_134], %swap3A_137 {add = true, strides = array<i32>} : memref<80x128xf32, #tpu.memory_space<vmem>>, vector<1x16xf32>,
        %get3A_138 = arith.index_cast %scan3A_112 : i32 to index
        %get3A_139 = arith.constant 48 : index
        %get3A_140 = tpu.vector_load %arg11[%get3A_138, %get3A_139] {strides = array<i32>} : memref<80x128xf32, #tpu.memory_space<vmem>>, vector<1x16xf32>,
        %get3A_141 = vector.shape_cast %get3A_140 : vector<1x16xf32> to vector<16xf32>
        %swap3A_142 = arith.index_cast %scan3A_112 : i32 to index
        %swap3A_143 = arith.constant 48 : index
        %swap3A_144 = tpu.vector_load %arg9[%swap3A_142, %swap3A_143] {strides = array<i32>} : memref<80x128xf32, #tpu.memory_space<vmem>>, vector<1x16xf32>,
        %swap3A_145 = vector.shape_cast %swap3A_144 : vector<1x16xf32> to vector<16xf32>
        %swap3A_146 = vector.shape_cast %get3A_141 : vector<16xf32> to vector<1x16xf32>
        tpu.vector_store %arg9[%swap3A_142, %swap3A_143], %swap3A_146 {add = true, strides = array<i32>} : memref<80x128xf32, #tpu.memory_space<vmem>>, vector<1x16xf32>,
        %get3A_147 = arith.index_cast %scan3A_112 : i32 to index
        %get3A_148 = arith.constant 64 : index
        %get3A_149 = tpu.vector_load %arg11[%get3A_147, %get3A_148] {strides = array<i32>} : memref<80x128xf32, #tpu.memory_space<vmem>>, vector<1x16xf32>,
        %get3A_150 = vector.shape_cast %get3A_149 : vector<1x16xf32> to vector<16xf32>
        %swap3A_151 = arith.index_cast %scan3A_112 : i32 to index
        %swap3A_152 = arith.constant 64 : index
        %swap3A_153 = tpu.vector_load %arg9[%swap3A_151, %swap3A_152] {strides = array<i32>} : memref<80x128xf32, #tpu.memory_space<vmem>>, vector<1x16xf32>,
        %swap3A_154 = vector.shape_cast %swap3A_153 : vector<1x16xf32> to vector<16xf32>
        %swap3A_155 = vector.shape_cast %get3A_150 : vector<16xf32> to vector<1x16xf32>
        tpu.vector_store %arg9[%swap3A_151, %swap3A_152], %swap3A_155 {add = true, strides = array<i32>} : memref<80x128xf32, #tpu.memory_space<vmem>>, vector<1x16xf32>,
        %get3A_156 = arith.index_cast %scan3A_112 : i32 to index
        %get3A_157 = arith.constant 80 : index
        %get3A_158 = tpu.vector_load %arg11[%get3A_156, %get3A_157] {strides = array<i32>} : memref<80x128xf32, #tpu.memory_space<vmem>>, vector<1x16xf32>,
        %get3A_159 = vector.shape_cast %get3A_158 : vector<1x16xf32> to vector<16xf32>
        %swap3A_160 = arith.index_cast %scan3A_112 : i32 to index
        %swap3A_161 = arith.constant 80 : index
        %swap3A_162 = tpu.vector_load %arg9[%swap3A_160, %swap3A_161] {strides = array<i32>} : memref<80x128xf32, #tpu.memory_space<vmem>>, vector<1x16xf32>,
        %swap3A_163 = vector.shape_cast %swap3A_162 : vector<1x16xf32> to vector<16xf32>
        %swap3A_164 = vector.shape_cast %get3A_159 : vector<16xf32> to vector<1x16xf32>
        tpu.vector_store %arg9[%swap3A_160, %swap3A_161], %swap3A_164 {add = true, strides = array<i32>} : memref<80x128xf32, #tpu.memory_space<vmem>>, vector<1x16xf32>,
        %get3A_165 = arith.index_cast %scan3A_112 : i32 to index
        %get3A_166 = arith.constant 96 : index
        %get3A_167 = tpu.vector_load %arg11[%get3A_165, %get3A_166] {strides = array<i32>} : memref<80x128xf32, #tpu.memory_space<vmem>>, vector<1x16xf32>,
        %get3A_168 = vector.shape_cast %get3A_167 : vector<1x16xf32> to vector<16xf32>
        %swap3A_169 = arith.index_cast %scan3A_112 : i32 to index
        %swap3A_170 = arith.constant 96 : index
        %swap3A_171 = tpu.vector_load %arg9[%swap3A_169, %swap3A_170] {strides = array<i32>} : memref<80x128xf32, #tpu.memory_space<vmem>>, vector<1x16xf32>,
        %swap3A_172 = vector.shape_cast %swap3A_171 : vector<1x16xf32> to vector<16xf32>
        %swap3A_173 = vector.shape_cast %get3A_168 : vector<16xf32> to vector<1x16xf32>
        tpu.vector_store %arg9[%swap3A_169, %swap3A_170], %swap3A_173 {add = true, strides = array<i32>} : memref<80x128xf32, #tpu.memory_space<vmem>>, vector<1x16xf32>,
        %get3A_174 = arith.index_cast %scan3A_112 : i32 to index
        %get3A_175 = arith.constant 112 : index
        %get3A_176 = tpu.vector_load %arg11[%get3A_174, %get3A_175] {strides = array<i32>} : memref<80x128xf32, #tpu.memory_space<vmem>>, vector<1x16xf32>,
        %get3A_177 = vector.shape_cast %get3A_176 : vector<1x16xf32> to vector<16xf32>
        %swap3A_178 = arith.index_cast %scan3A_112 : i32 to index
        %swap3A_179 = arith.constant 112 : index
        %swap3A_180 = tpu.vector_load %arg9[%swap3A_178, %swap3A_179] {strides = array<i32>} : memref<80x128xf32, #tpu.memory_space<vmem>>, vector<1x16xf32>,
        %swap3A_181 = vector.shape_cast %swap3A_180 : vector<1x16xf32> to vector<16xf32>
        %swap3A_182 = vector.shape_cast %get3A_177 : vector<16xf32> to vector<1x16xf32>
        tpu.vector_store %arg9[%swap3A_178, %swap3A_179], %swap3A_182 {add = true, strides = array<i32>} : memref<80x128xf32, #tpu.memory_space<vmem>>, vector<1x16xf32>,
      }
      %scan3A_104 = arith.constant 80 : i32
      %mul3A_105 = arith.constant 80 : i32
      %mul3A_106 = arith.muli %add3A_74, %mul3A_105 : i32
      %add3A_107 = arith.addi %mul3A_2, %mul3A_106 : i32
      %dma_start3A_108 = arith.constant 0 : i32
      %dma_start3A_109 = tpu.memref_slice %arg5[%add3A_107, %dma_start3A_108] : memref<204800x128xf32, #tpu.memory_space<hbm>> -> memref<80x128xf32, #tpu.memory_space<hbm>>
      %dma_start3A_110 = arith.constant 0 : i32
      %dma_start3A_111 = tpu.memref_slice %arg5[%add3A_107, %dma_start3A_110] : memref<204800x128xf32, #tpu.memory_space<hbm>> -> memref<80x128xf32, #tpu.memory_space<hbm>>
      tpu.enqueue_dma source(%arg9 : memref<80x128xf32, #tpu.memory_space<vmem>>) target(%dma_start3A_111 : memref<80x128xf32, #tpu.memory_space<hbm>>) target_semaphore(%arg17 : memref<!tpu.dma_semaphore, #tpu.memory_space<semaphore_mem>>)
    }
    %scan3A_21 = arith.constant 40 : i32
    %add3A_22 = arith.constant 6320 : i32
    %add3A_23 = arith.addi %mul3A_2, %add3A_22 : i32
    %dma_wait3A = arith.constant 0 : i32
    %dma_wait3A_24 = tpu.memref_slice %arg5[%add3A_23, %dma_wait3A] : memref<204800x128xf32, #tpu.memory_space<hbm>> -> memref<80x128xf32, #tpu.memory_space<hbm>>
    %dma_wait3A_25 = arith.constant 0 : i32
    %dma_wait3A_26 = tpu.memref_slice %arg5[%add3A_23, %dma_wait3A_25] : memref<204800x128xf32, #tpu.memory_space<hbm>> -> memref<80x128xf32, #tpu.memory_space<hbm>>
    tpu.wait_dma2 semaphore(%arg17 : memref<!tpu.dma_semaphore, #tpu.memory_space<semaphore_mem>>) src(%arg9 : memref<80x128xf32, #tpu.memory_space<vmem>>) dst(%dma_wait3A_26 : memref<80x128xf32, #tpu.memory_space<hbm>>)
    return
  }
}

</mosaic_0001>

<sc_bundles>
// kernel: kernel.3.cloned.1.call-start
scs
__scs_entry_jumppad:
0x0: {  	(pc) =	sbr.rel $0x88, $3  }
0x1: {  	(tag) =	ssettag $0x0;
	lr =	simm.s32 $0x1  }
0x2: {  	[smem:$0x3F9E] =	sst lr;
	_ =	strace $0xD0000000  }
0x3: {  	_ = 	snop  }
0x4: {  	_ = 	snop  }
0x5: {  	_ = 	snop  }
0x6: {  	_ = 	snop  }
0x7: {  	_ = 	snop  }
__scs_overlays_trampoline_lowered:
0x8: {  	[smem:$0x3FAD] =	sst s0  }
0x9: {  	[smem:$0x3FAE] =	sst s1  }
0xa: {  	[smem:$0x3FAF] =	sst s2  }
0xb: {  	[smem:$0x3FB0] =	sst s3  }
0xc: {  	[smem:$0x3FB1] =	sst s4  }
0xd: {  	[smem:$0x3FB2] =	sst s5  }
0xe: {  	[smem:$0x3FB3] =	sst s6  }
0xf: {  	[smem:$0x3FB4] =	sst s7  }
0x10: {  	[smem:$0x3FB5] =	sst s8  }
0x11: {  	[smem:$0x3FB6] =	sst s9;
	s0 =	simm.s32 @!p0 $0x0  }
0x12: {  	s1 =	sld [smem:$0x3F9C];
	s0 =	simm.s32 @p0 $0x1  }
0x13: {  	[smem:$0x3FB7] =	sst s0;
	s0 =	simm.s32 @!p1 $0x0  }
0x14: {  	s2 =	sld [smem:$0x3F9B];
	s0 =	simm.s32 @p1 $0x1  }
0x15: {  	[smem:$0x3FB8] =	sst s0;
	s0 =	simm.s32 @!p2 $0x0  }
0x16: {  	s3 =	sld [smem:$0x3FDB];
	s0 =	simm.s32 @p2 $0x1  }
0x17: {  	s4 =	simm.s32 $0x1BF5;
	[smem:$0x3FBA] =	sst s0  }
0x18: {  	s0 =	sld [smem:$0x3F9D];
	_ =	swait.ge [sflag:s4], $0x0  }
0x19: {  	s7 =	sld [smem:$0x3F9E]  }
0x1a: {  	s8 =	sadd.s32 $0xFFFFE003, lr  }
0x1b: {  	s9 =	sadd.s32 $0xFFFFFEF7, lr;
	s5 =	simm.s32 $0xFFFFFFFF;
	p2 =	slt.u32 s8, $0xFFFFF086  }
0x1c: {  	p1 =	slt.u32 s9, $0xF7A;
	s5 =	simm.s32 @!p2 $0x0  }
0x1d: {  	s5 =	simm.s32 @p1 $0x1;
	p0 =	seq.s32 s7, s2  }
0x1e: {  	s7 =	smul.u32 @!p0 $0xF7A, s2;
	p2 =	seq.s32 @!p0 s5, $0x0  }
0x1f: {  	s9 =	smul.u32 $0xF7A, s1;
	s8 =	simm.s32 @!p0 $0x1BF5;
	p2 =	por !p2, p0  }
0x20: {  	[sflag:s8] =	ssyncset.s32 @!p0 $0xFFFFF086;
	s6 =	sadd.s32 @!p0 s3, s7;
	s7 =	simm.s32 @!p0 $0x108  }
0x21: {  	s3 =	sadd.s32 s3, s9;
	s6 =	sadd.s32 @!p0 $0x88, s6;
	s7 =	simm.s32 @p2 $0x1082  }
0x22: {  	[simem:s7], [sflag:s8] =	dma.local @!p0 [hbm:s6], $0xF7A  }
0x23: {  	s9 =	sor.u32 $0xD0000000, s2;
	s6 =	simm.s32 $0x108;
	_ =	swait.ge @!p0 [sflag:s8], $0x0  }
0x24: {  	s3 =	sadd.s32 $0x88, s3;
	s6 =	simm.s32 @!p1 $0x1082;
	[sflag:s4] =	ssyncset.s32 $0xFFFFF086  }
0x25: {  	[simem:s6], [sflag:s4] =	dma.local [hbm:s3], $0xF7A  }
0x26: {  	[smem:$0x3F9E] =	sst s1;
	(tag) =	ssettag s2;
	_ =	strace s9  }
0x27: {  	s1 =	sld [smem:$0x3FAE]  }
0x28: {  	s2 =	sld [smem:$0x3FAF]  }
0x29: {  	s4 =	sld [smem:$0x3FB1]  }
0x2a: {  	p0 =	seq.s32 s5, $0x0;
	s5 =	sld [smem:$0x3FB2]  }
0x2b: {  	s6 =	sld [smem:$0x3FB3]  }
0x2c: {  	s7 =	sld [smem:$0x3FB4]  }
0x2d: {  	s3 =	simm.s32 $0x108;
	s8 =	sld [smem:$0x3FB5]  }
0x2e: {  	s3 =	simm.s32 @!p0 $0x1082;
	s9 =	sld [smem:$0x3FB6]  }
0x2f: {  	lr =	sadd.s32 s0, s3;
	s0 =	sld [smem:$0x3FAD]  }
0x30: {  	s3 =	sld [smem:$0x3FB0]  }
0x31: {  	[smem:$0x3FB9] =	sst s10  }
0x32: {  	s10 =	sld [smem:$0x3FB7];
	_ =	sdelay $0x3  }
0x33: {  	p0 =	seq.s32 s10, $0x1;
	s10 =	sld [smem:$0x3FB9];
	_ =	sdelay $0x3  }
0x34: {  	[smem:$0x3FB9] =	sst s10  }
0x35: {  	s10 =	sld [smem:$0x3FB8];
	_ =	sdelay $0x3  }
0x36: {  	p1 =	seq.s32 s10, $0x1;
	s10 =	sld [smem:$0x3FB9];
	_ =	sdelay $0x3  }
0x37: {  	[smem:$0x3FB9] =	sst s10  }
0x38: {  	s10 =	sld [smem:$0x3FBA]  }
0x39: {  	_ = 	snop;
	(pc) =	sbr.ind lr, $3  }
0x3a: {  	_ = 	snop  }
0x3b: {  	_ = 	snop  }
0x3c: {  	p2 =	seq.s32 s10, $0x1;
	s10 =	sld [smem:$0x3FB9]  }
0x3d: {  	_ =	shalt  }
0x3e: {  	_ =	shalt  }
0x3f: {  	_ =	shalt  }
0x40: {  	_ =	shalt  }
0x41: {  	_ =	shalt  }
0x42: {  	_ =	shalt  }
0x43: {  	_ =	shalt  }
0x44: {  	_ =	shalt  }
0x45: {  	_ =	shalt  }
0x46: {  	_ =	shalt  }
0x47: {  	_ =	shalt  }
0x48: {  	_ =	shalt  }
0x49: {  	_ =	shalt  }
0x4a: {  	_ =	shalt  }
0x4b: {  	_ =	shalt  }
0x4c: {  	_ =	shalt  }
0x4d: {  	_ =	shalt  }
0x4e: {  	_ =	shalt  }
0x4f: {  	_ =	shalt  }
0x50: {  	_ =	shalt  }
0x51: {  	_ =	shalt  }
0x52: {  	_ =	shalt  }
0x53: {  	_ =	shalt  }
0x54: {  	_ =	shalt  }
0x55: {  	_ =	shalt  }
0x56: {  	_ =	shalt  }
0x57: {  	_ =	shalt  }
0x58: {  	_ =	shalt  }
0x59: {  	_ =	shalt  }
0x5a: {  	_ =	shalt  }
0x5b: {  	_ =	shalt  }
0x5c: {  	_ =	shalt  }
0x5d: {  	_ =	shalt  }
0x5e: {  	_ =	shalt  }
0x5f: {  	_ =	shalt  }
0x60: {  	_ =	shalt  }
0x61: {  	_ =	shalt  }
0x62: {  	_ =	shalt  }
0x63: {  	_ =	shalt  }
0x64: {  	_ =	shalt  }
0x65: {  	_ =	shalt  }
0x66: {  	_ =	shalt  }
0x67: {  	_ =	shalt  }
0x68: {  	_ =	shalt  }
0x69: {  	_ =	shalt  }
0x6a: {  	_ =	shalt  }
0x6b: {  	_ =	shalt  }
0x6c: {  	_ =	shalt  }
0x6d: {  	_ =	shalt  }
0x6e: {  	_ =	shalt  }
0x6f: {  	_ =	shalt  }
0x70: {  	_ =	shalt  }
0x71: {  	_ =	shalt  }
0x72: {  	_ =	shalt  }
0x73: {  	_ =	shalt  }
0x74: {  	_ =	shalt  }
0x75: {  	_ =	shalt  }
0x76: {  	_ =	shalt  }
0x77: {  	_ =	shalt  }
0x78: {  	_ =	shalt  }
0x79: {  	_ =	shalt  }
0x7a: {  	_ =	shalt  }
0x7b: {  	_ =	shalt  }
0x7c: {  	_ =	shalt  }
0x7d: {  	_ =	shalt  }
0x7e: {  	_ =	shalt  }
0x7f: {  	_ =	shalt  }
0x80: {  	_ =	shalt  }
0x81: {  	_ =	shalt  }
0x82: {  	_ =	shalt  }
0x83: {  	_ =	shalt  }
0x84: {  	_ =	shalt  }
0x85: {  	_ =	shalt  }
0x86: {  	_ =	shalt  }
0x87: {  	_ =	shalt  }
.Lfunc_end0:
.L_simem_size_0:
called_computation_lowered:
.L_overlay_start_0:
0x88: {  	s2 =	sld [smem:$0x3FD9]  }
0x89: {  	s3 =	sld [smem:$0x3FFE];
	_ =	sdelay $0x1  }
0x8a: {  	s1 =	srdreg.scid  }
0x8b: {  	s0 =	sand.u32 $0x1, s1  }
0x8c: {  	s17 =	sshll.u32 s0, $0xA;
	s2 =	sadd.s32 s3, s2  }
0x8d: {  	s2 =	sadd.s32 s2, s17  }
0x8e: {  	[smem:$0x3FC5] =	sst s2  }
0x8f: {  	_ = 	snop  }
0x90: {  	s2 =	sld [smem:$0x3FC9]  }
0x91: {  	s18 =	sld [smem:$0x3FC7]  }
0x92: {  	s4 =	sld [smem:$0x3FD0];
	(tm) =	ssettm $0x1  }
0x93: {  	s5 =	sld [smem:$0x3FFB];
	_ =	sdelay $0x3  }
0x94: {  	_ =	strace s5  }
0x95: {  	s5 =	sld [smem:$0x3FFC];
	_ =	sdelay $0x3  }
0x96: {  	_ =	strace s5  }
0x97: {  	s5 =	sld [smem:$0x3FFD];
	_ =	sdelay $0x3  }
0x98: {  	_ =	strace s5  }
0x99: {  	_ =	strace $0x8FFFFFFF  }
0x9a: {  	s19 =	sld [smem:$0x3FDB];
	_ =	sdelay $0x1  }
0x9b: {  	s6 =	simm.s32 $_scs_section_size  }
0x9c: {  	s7 =	simm.s32 $_size__tile_overlayer_lowered;
	s8 =	simm.s32 $_tile_overlayer_lowered  }
0x9d: {  	s22 =	simm.s32 $0x1BFF;
	s21 =	sshll.u32 s8, $0x1;
	s5 =	sadd.s32 s6, s19  }
0x9e: {  	s9 =	simm.s32 $0x0;
	s20 =	sshll.u32 s7, $0x1;
	s7 =	sadd.s32 s21, s5  }
0x9f: {  	[timem:s9], [sflag:s22] =	dma.local [hbm:s7], s20  }
0xa0: {  	_ =	swait.ge [sflag:s22], s20  }
0xa1: {  	s6 =	ssub.s32 $0x0, s20;
	[sflag:s22] =	ssyncset.done $0x0  }
0xa2: {  	[sflag:s22] =	ssyncadd.s32 s6;
	_ =	sdelay $0x1  }
0xa3: {  	s23 =	simm.s32 $0x1B8B  }
0xa4: {  	_ =	swait.ge [sflag:s23], $0x1  }
0xa5: {  	[sflag:s23] =	ssyncset.done $0x0  }
0xa6: {  	s25 =	simm.s32 $0x1B8E;
	s24 =	sld [smem:$0x3FFE];
	[sflag:s23] =	ssyncadd.s32 $0xFFFFFFFF  }
0xa7: {  	s26 =	simm.s32 $execute0_lowered;
	[smem:$0x3FD2] =	sst s25  }
0xa8: {  	s7 =	sshll.u32 s26, $0x1;
	_ =	strace $0x80000046;
	[dreg:$0x1] =	wrdreg $0xFFFFFFFF  }
0xa9: {  	s28 =	simm.s32 $_size_execute0_lowered;
	s5 =	sadd.s32 s5, s7;
	[dreg:$0x0] =	wrdreg $0x0  }
0xaa: {  	s7 =	sshll.u32 s28, $0x1;
	[dreg:$0x2] =	wrdreg s5  }
0xab: {  	[dreg:$0x3] =	wrdreg s7  }
0xac: {  	[dreg:$0x4] =	wrdreg $0xC0  }
0xad: {  	_ =	task [dreg:s9], $0x5FFFF  }
0xae: {  	[dreg:$0x1] =	wrdreg $0xFFFFFFFF  }
0xaf: {  	[dreg:$0x0] =	wrdreg $0x60  }
0xb0: {  	[dreg:$0x2] =	wrdreg s2  }
0xb1: {  	[dreg:$0x3] =	wrdreg s24  }
0xb2: {  	[dreg:$0x4] =	wrdreg s18  }
0xb3: {  	[dreg:$0x5] =	wrdreg s4  }
0xb4: {  	[dreg:$0x6] =	wrdreg $0x0  }
0xb5: {  	[dreg:$0x7] =	wrdreg $0x9  }
0xb6: {  	_ =	task.clear_ibuf [dreg:s9], $0x8FFFF;
	_ =	strace $0x90000046  }
0xb7: {  	s29 =	simm.s32 $0x9;
	_ =	strace $0x80000048  }
0xb8: {  	_ =	swait.ge [sflag:s29], $0x1  }
0xb9: {  	[sflag:s29] =	ssyncadd.s32 $0xFFFFFFFF  }
0xba: {  	_ =	strace $0x90000048  }
0xbb: {  	_ =	sfence  }
0xbc: {  	s30 =	sld [smem:$0x0];
	_ =	sdelay $0x2  }
0xbd: {  	s31 =	sshll.u32 s1, $0xD;
	s1 =	sshrl.u32 s1, $0x2  }
0xbe: {  	s3 =	sand.u32 $0x4000, s31;
	s1 =	sadd.s32 s1, s30  }
0xbf: {  	s0 =	sor.u32 s3, s0;
	s1 =	sshll.u32 s1, $0x11  }
0xc0: {  	s0 =	sor.u32 s1, s0  }
0xc1: {  	s0 =	sadd.s32 $0x8F2B, s0  }
0xc2: {  	[sflag:s0] =	ssyncadd.remote.s32 $0x1  }
0xc3: {  	_ =	sfence.sel $0xFFFF  }
0xc4: {  	[dreg:$0x0] =	wrdreg $0xFFFFFFFF;
	(pc) =	sbr.abs _section_cstart, $3  }
0xc5: {  	[dreg:$0x1] =	wrdreg $0xFFFFFFFF  }
0xc6: {  	_ =	task.clear_ibuf [dreg:s9], $0x2FFFF;
	_ =	strace $0x9FFFFFFF  }
0xc7: {  	(tm) =	ssettm $0x7FFFFFFF  }
tec
execute0_lowered:
.L_overlay_start_1:
0x0: {  	(tag) =	ssettag $0x1  }
0x1: {  	s1 =	rddreg [dreg:$0x0]  }
0x2: {  	s0 =	rddreg [dreg:$0x1]  }
0x3: {  	s2 =	rddreg [dreg:$0x2]  }
0x4: {  	s4 =	srdreg.scid;
	s12 =	stileid.u32  }
0x5: {  	s3 =	rddreg [dreg:$0x3];
	s14 =	simm.s32 $0x10000;
	s15 =	simm.s32 $0x11900  }
0x6: {  	s16 =	simm.s32 $0x50;
	s17 =	simm.s32 $0x16900;
	s18 =	simm.s32 $0x1  }
0x7: {  	s19 =	simm.s32 $0x3;
	s20 =	simm.s32 $0x14100;
	s21 =	simm.s32 $0x19100  }
0x8: {  	s22 =	simm.s32 $0x2;
	s23 =	simm.s32 $0x4;
	s24 =	simm.s32 $0x5  }
0x9: {  	s25 =	simm.s32 $0x6;
	s26 =	simm.s32 $0x0;
	s7 =	sand.u32 $0x1, s4  }
0xa: {  	s5 =	sshll.u32 s12, $0x1;
	s4 =	rddreg [dreg:$0x4];
	s28 =	sshll.u32 s12, $0x10  }
0xb: {  	s29 =	sshll.u32 s12, $0xD;
	s30 =	sshll.u32 s12, $0x6;
	s8 =	sor.u32 s7, s5  }
0xc: {  	s5 =	simm.s32 $0x0;
	s7 =	ssub.s32 $0x2, s7;
	s13 =	sadd.s32 s28, s4  }
0xd: {  	s6 =	smul.u32 $0x1900, s8;
	[smem:$0x7FF] =	sst s5;
	s10 =	sshrl.u32 s7, $0x1  }
0xe: {  	s31 =	smul.u32 $0x19000, s8;
	s8 =	sor.u32 $0x1C07, s30;
	s12 =	sshrl.u32 s13, $0x3  }
0xf: {  	s13 =	simm.s32 $0x7;
	_ =	strace $0x80000047;
	s9 =	sshrl.u32 s6, $0x3  }
0x10: {  	s11 =	ssub.s32 s7, s10;
	s7 =	sadd.s32 s2, s29;
	s0 =	sadd.s32 s9, s0  }
0x11: {  	s10 =	sadd.s32 s1, s31;
	s11 =	smax.u32 s11, $0x1;
	s9 =	sadd.s32 $0x400, s0  }
.LBB2_1:
0x12: {  	[spmem:s12], [sflag:s8] =	dma.local [hbm:s7], $0x2000  }
0x13: {  	_ =	swait.ge [sflag:s13], $0x2000  }
0x14: {  	[sflag:s13] =	ssyncset.done $0x0  }
0x15: {  	[sflag:s13] =	ssyncadd.s32 $0xFFFFE000  }
0x16: {  	[bflag:$0x0] =	sbarrier.arrive $0xFFFF  }
0x17: {  	[tilespmem:s14], [sflag:$0x7] =	stream.linear.gather [hbm4b:s9+s5], $0x1900, $0x38;
	[tilespmem:$0x1B900] =	vst v63  }
0x18: {  	_ =	swait.ge [sflag:s13], $0x1900  }
0x19: {  	[sflag:s13] =	ssyncset.done $0x0  }
0x1a: {  	[sflag:s13] =	ssyncadd.s32 $0xFFFFE700  }
0x1b: {  	[tilespmem:s15], [sflag:$0x1] =	stream.linear.gather [hbm4b:s10+s5], $0x2800, $0x38;
	[tilespmem:$0x1B900] =	vst v63  }
0x1c: {  	s28 =	simm.s32 $0x0  }
0x1d: {  	[tilespmem:s17], [sflag:$0x3] =	stream.indirect.gather [spmem:s4], $0x80, s14, s16, $0xb8;
	[tilespmem:$0x1B900] =	vst v63  }
.LBB2_2:
0x1e: {  	_ =	swait.ge [sflag:s18], $0x2800  }
0x1f: {  	[sflag:s18] =	ssyncset.done $0x0  }
0x20: {  	[sflag:s18] =	ssyncadd.s32 $0xFFFFD800  }
0x21: {  	s30 =	smul.u32 $0xA0, s28;
	_ =	swait.ge [sflag:s19], $0x2800  }
0x22: {  	p0 =	seq.s32 s28, $0x0;
	[sflag:s19] =	ssyncset.done $0x0  }
0x23: {  	s2 =	simm.s32 @!p0 $0x6;
	s0 =	sadd.s32 s6, s30;
	[sflag:s19] =	ssyncadd.s32 $0xFFFFD800  }
0x24: {  	s31 =	sshll.u32 s0, $0x4;
	_ =	swait.ge @!p0 [sflag:s2], $0x2800  }
0x25: {  	s29 =	sadd.s32 $0x500, s31;
	[sflag:s2] =	ssyncset.done @!p0 $0x0  }
0x26: {  	s0 =	sadd.s32 s1, s29;
	[sflag:s2] =	ssyncadd.s32 @!p0 $0xFFFFD800;
	s2 =	simm.s32 $0x0  }
0x27: {  	[tilespmem:s20], [sflag:$0x2] =	stream.linear.gather [hbm4b:s0+s2], $0x2800, $0x38;
	[tilespmem:$0x1B900] =	vst v63  }
0x28: {  	s2 =	sadd.s32 $0x10050, s30  }
0x29: {  	[tilespmem:s21], [sflag:$0x4] =	stream.indirect.gather [spmem:s4], $0x80, s2, s16, $0xb8;
	[tilespmem:$0x1B900] =	vst v63  }
0x2a: {  	s0 =	simm.s32 $0x200;
	s2 =	simm.s32 $0x0  }
.LBB2_3:
0x2b: {  	p0 =	sne.s32 s0, $0x9E00;
	v0 =	vld [tilespmem:s2+$0x16970]  }
0x2c: {  	v1 =	vld [tilespmem:s2+$0x16900]  }
0x2d: {  	v2 =	vld [tilespmem:s2+$0x16910]  }
0x2e: {  	v3 =	vld [tilespmem:s2+$0x16920]  }
0x2f: {  	v4 =	vld [tilespmem:s2+$0x16930]  }
0x30: {  	[tilespmem:s2+$0x11970] =	vst.add.f32.msk $0xffff, v0  }
0x31: {  	v0 =	vld [tilespmem:s2+$0x16940]  }
0x32: {  	v5 =	vld [tilespmem:s2+$0x16950]  }
0x33: {  	v6 =	vld [tilespmem:s2+$0x16960]  }
0x34: {  	[tilespmem:s2+$0x11900] =	vst.add.f32.msk $0xffff, v1  }
0x35: {  	[tilespmem:s2+$0x11910] =	vst.add.f32.msk $0xffff, v2  }
.Ltmp0:
0x36: {  	[tilespmem:s2+$0x11920] =	vst.add.f32.msk $0xffff, v3;
	(pc) =	sbr.rel @p0 .LBB2_3-.Ltmp0, $4  }
0x37: {  	[tilespmem:s2+$0x11930] =	vst.add.f32.msk $0xffff, v4  }
0x38: {  	[tilespmem:s2+$0x11940] =	vst.add.f32.msk $0xffff, v0  }
0x39: {  	[tilespmem:s2+$0x11950] =	vst.add.f32.msk $0xffff, v5  }
0x3a: {  	[tilespmem:s2+$0x11960] =	vst.add.f32.msk $0xffff, v6;
	s2 =	sshra.s32 s0, $0x2;
	s0 =	sadd.s32 $0x200, s0  }
0x3b: {  	v0 =	vld [tilespmem:s2+$0x16970]  }
0x3c: {  	v1 =	vld [tilespmem:s2+$0x16900]  }
0x3d: {  	v2 =	vld [tilespmem:s2+$0x16910]  }
0x3e: {  	v3 =	vld [tilespmem:s2+$0x16920]  }
0x3f: {  	v4 =	vld [tilespmem:s2+$0x16930]  }
0x40: {  	v63 =	vld [tilespmem:s2+$0x16940]  }
0x41: {  	v5 =	vld [tilespmem:s2+$0x16950]  }
0x42: {  	v6 =	vld [tilespmem:s2+$0x16960]  }
0x43: {  	[tilespmem:s2+$0x11970] =	vst.add.f32.msk $0xffff, v0  }
0x44: {  	[tilespmem:s2+$0x11900] =	vst.add.f32.msk $0xffff, v1  }
0x45: {  	[tilespmem:s2+$0x11910] =	vst.add.f32.msk $0xffff, v2  }
0x46: {  	[tilespmem:s2+$0x11920] =	vst.add.f32.msk $0xffff, v3  }
0x47: {  	[tilespmem:s2+$0x11930] =	vst.add.f32.msk $0xffff, v4  }
0x48: {  	[tilespmem:s2+$0x11940] =	vst.add.f32.msk $0xffff, v63  }
0x49: {  	[tilespmem:s2+$0x11950] =	vst.add.f32.msk $0xffff, v5  }
0x4a: {  	s0 =	sadd.s32 s3, s31;
	[tilespmem:s2+$0x11960] =	vst.add.f32.msk $0xffff, v6  }
0x4b: {  	[hbm4b:s0+s5] =	stream.linear.scatter [tilespmem:s15], [sflag:$0x5], $0x2800, $0x38;
	[tilespmem:$0x1B900] =	vst v63  }
0x4c: {  	_ =	swait.ge [sflag:s22], $0x2800  }
0x4d: {  	[sflag:s22] =	ssyncset.done $0x0  }
0x4e: {  	[sflag:s22] =	ssyncadd.s32 $0xFFFFD800  }
0x4f: {  	_ =	swait.ge [sflag:s23], $0x2800  }
0x50: {  	p0 =	seq.s32 s28, $0x27;
	[sflag:s23] =	ssyncset.done $0x0  }
0x51: {  	s0 =	sadd.s32 @!p0 s6, s30;
	[sflag:s23] =	ssyncadd.s32 $0xFFFFD800  }
0x52: {  	s0 =	sshll.u32 @!p0 s0, $0x4;
	_ =	swait.ge [sflag:s24], $0x2800  }
0x53: {  	s31 =	simm.s32 @!p0 $0x11900;
	s0 =	sadd.s32 @!p0 s1, s0;
	[sflag:s24] =	ssyncset.done $0x0  }
0x54: {  	s2 =	simm.s32 @!p0 $0x0;
	s0 =	sadd.s32 @!p0 $0xA00, s0;
	[sflag:s24] =	ssyncadd.s32 $0xFFFFD800  }
0x55: {  	[tilespmem:s31], [sflag:$0x1] =	stream.linear.gather @!p0 [hbm4b:s0+s2], $0x2800, $0x38;
	[tilespmem:$0x1B900] =	vst v63  }
0x56: {  	s0 =	sadd.s32 @!p0 $0x100A0, s30;
	s2 =	simm.s32 @!p0 $0x50;
	s30 =	simm.s32 @!p0 $0x16900  }
0x57: {  	[tilespmem:s30], [sflag:$0x3] =	stream.indirect.gather @!p0 [spmem:s4], $0x80, s0, s2, $0xb8;
	[tilespmem:$0x1B900] =	vst v63  }
0x58: {  	s2 =	simm.s32 $0x0;
	s0 =	simm.s32 $0x200  }
.LBB2_5:
0x59: {  	p0 =	sne.s32 s0, $0x9E00;
	v0 =	vld [tilespmem:s2+$0x19170]  }
0x5a: {  	v1 =	vld [tilespmem:s2+$0x19100]  }
0x5b: {  	v2 =	vld [tilespmem:s2+$0x19110]  }
0x5c: {  	v3 =	vld [tilespmem:s2+$0x19120]  }
0x5d: {  	v4 =	vld [tilespmem:s2+$0x19130]  }
0x5e: {  	[tilespmem:s2+$0x14170] =	vst.add.f32.msk $0xffff, v0  }
0x5f: {  	v0 =	vld [tilespmem:s2+$0x19140]  }
0x60: {  	v5 =	vld [tilespmem:s2+$0x19150]  }
0x61: {  	v6 =	vld [tilespmem:s2+$0x19160]  }
0x62: {  	[tilespmem:s2+$0x14100] =	vst.add.f32.msk $0xffff, v1  }
0x63: {  	[tilespmem:s2+$0x14110] =	vst.add.f32.msk $0xffff, v2  }
.Ltmp1:
0x64: {  	[tilespmem:s2+$0x14120] =	vst.add.f32.msk $0xffff, v3;
	(pc) =	sbr.rel @p0 .LBB2_5-.Ltmp1, $4  }
0x65: {  	[tilespmem:s2+$0x14130] =	vst.add.f32.msk $0xffff, v4  }
0x66: {  	[tilespmem:s2+$0x14140] =	vst.add.f32.msk $0xffff, v0  }
0x67: {  	[tilespmem:s2+$0x14150] =	vst.add.f32.msk $0xffff, v5  }
0x68: {  	[tilespmem:s2+$0x14160] =	vst.add.f32.msk $0xffff, v6;
	s2 =	sshra.s32 s0, $0x2;
	s0 =	sadd.s32 $0x200, s0  }
0x69: {  	v0 =	vld [tilespmem:s2+$0x19170]  }
0x6a: {  	v1 =	vld [tilespmem:s2+$0x19100]  }
0x6b: {  	v2 =	vld [tilespmem:s2+$0x19110]  }
0x6c: {  	v3 =	vld [tilespmem:s2+$0x19120]  }
0x6d: {  	v4 =	vld [tilespmem:s2+$0x19130]  }
0x6e: {  	v63 =	vld [tilespmem:s2+$0x19140]  }
0x6f: {  	v5 =	vld [tilespmem:s2+$0x19150]  }
0x70: {  	v6 =	vld [tilespmem:s2+$0x19160]  }
0x71: {  	[tilespmem:s2+$0x14170] =	vst.add.f32.msk $0xffff, v0  }
0x72: {  	[tilespmem:s2+$0x14100] =	vst.add.f32.msk $0xffff, v1  }
0x73: {  	s28 =	sadd.s32 $0x1, s28;
	[tilespmem:s2+$0x14110] =	vst.add.f32.msk $0xffff, v2  }
0x74: {  	p0 =	sne.s32 s28, $0x28;
	[tilespmem:s2+$0x14120] =	vst.add.f32.msk $0xffff, v3  }
.Ltmp2:
0x75: {  	[tilespmem:s2+$0x14130] =	vst.add.f32.msk $0xffff, v4;
	(pc) =	sbr.rel @p0 .LBB2_2-.Ltmp2, $4  }
0x76: {  	[tilespmem:s2+$0x14140] =	vst.add.f32.msk $0xffff, v63  }
0x77: {  	[tilespmem:s2+$0x14150] =	vst.add.f32.msk $0xffff, v5  }
0x78: {  	s0 =	sadd.s32 s3, s29;
	[tilespmem:s2+$0x14160] =	vst.add.f32.msk $0xffff, v6  }
0x79: {  	[hbm4b:s0+s5] =	stream.linear.scatter [tilespmem:s20], [sflag:$0x6], $0x2800, $0x38;
	[tilespmem:$0x1B900] =	vst v63  }
0x7a: {  	s26 =	sadd.s32 $0x1, s26  }
0x7b: {  	p0 =	sne.s32 s26, s11  }
.Ltmp3:
0x7c: {  	_ = 	snop;
	(pc) =	sbr.rel @p0 .LBB2_1-.Ltmp3, $4  }
0x7d: {  	_ = 	snop  }
0x7e: {  	_ =	swait.ge [sflag:s25], $0x2800  }
0x7f: {  	[sflag:s25] =	ssyncset.done $0x0  }
0x80: {  	[sflag:s25] =	ssyncadd.s32 $0xFFFFD800  }
0x81: {  	_ =	sfence.sel $0x180000  }
0x82: {  	[bflag:$0x0] =	sbarrier.arrive $0xFFFF  }
0x83: {  	_ =	strace $0x90000047  }
0x84: {  	s0 =	stileid.u32;
	[bflag:$0x2] =	sbarrier.arrive $0xFFFF  }
0x85: {  	p0 =	sne.s32 s0, $0x0;
	s0 =	rddreg [dreg:$0x5]  }
0x86: {  	s0 =	sadd.s32 @!p0 $0x100000, s0  }
0x87: {  	[sflag:s0] =	ssyncadd.tile.s32 @!p0 $0x1;
	_ =	shalt  }
.Lfunc_end2:
_tile_overlayer_lowered:
.L_overlay_start_2:
0x88: {  	(tag) =	ssettag $0x2  }
0x89: {  	s0 =	rddreg [dreg:$0x0];
	s2 =	stileid.u32  }
0x8a: {  	s1 =	rddreg [dreg:$0x1];
	p0 =	sne.s32 s2, $0x0  }
0x8b: {  	s3 =	rddreg [dreg:$0x2];
	[bflag:$0x3] =	sbarrier.arrive $0xFFFF;
	s2 =	simm.s32 @!p0 $0x1C07  }
0x8c: {  	[timem:s3], [sflag:s2] =	dma.local @!p0 [hbm:s0], s1  }
0x8d: {  	s0 =	simm.s32 @!p0 $0x7  }
0x8e: {  	_ =	swait.ge @!p0 [sflag:s0], s1  }
0x8f: {  	s1 =	ssub.s32 @!p0 $0x0, s1;
	[sflag:s0] =	ssyncset.done @!p0 $0x0  }
0x90: {  	[sflag:s0] =	ssyncadd.s32 @!p0 s1  }
0x91: {  	[bflag:$0x3] =	sbarrier.arrive $0xFFFF  }
0x92: {  	_ =	shalt  }

</sc_bundles>
